<compile_context>
chip_gen: v7x
topology: tpu7x:2x2x1
jax: 0.10.2.dev20260603
libtpu: 0.0.44.dev20260713+nightly
codegen_flags: <defaults>
</compile_context>

<pallas_src>
import functools

import jax
import jax.numpy as jnp
import numpy as np
from jax import lax
from jax.experimental import pallas as pl
from jax.experimental.pallas import tpu as pltpu
from jax.experimental.pallas import tpu_sc as plsc

_N = 10000
_E = 320000
_F_IN = 128
_HID = 128
_HX = 64
_C = 40

_BN = 2000
_NW = 32
_CH = _E // _NW
_LANES = 16


def _node_body(x_ref, ym_ref, fc1w_ref, fc1b_ref, fc2w_ref, fc2b_ref,
               xencw_ref, xencb_ref, wx_ref, wy_ref, bst_ref,
               ylp_ref, s_ref, t_ref):
    xb = x_ref[...]
    h = jnp.maximum(
        jnp.dot(xb, fc1w_ref[...], preferred_element_type=jnp.float32)
        + fc1b_ref[...], 0.0)
    logits = (jnp.dot(h, fc2w_ref[...], preferred_element_type=jnp.float32)
              + fc2b_ref[...])
    m = jnp.max(logits, axis=-1, keepdims=True)
    shifted = logits - m
    lse = jnp.log(jnp.sum(jnp.exp(shifted), axis=-1, keepdims=True))
    ylp = shifted - lse
    ylp_ref[...] = ylp.T
    yp = jnp.exp(ylp)
    ym_col = ym_ref[...].T
    y_col = ym_col >> 1
    m_col = ym_col & 1
    cls = lax.broadcasted_iota(jnp.int32, (_N, _C), 1)
    onehot = (cls == y_col).astype(jnp.float32)
    yp = jnp.where(m_col != 0, onehot, yp)
    xe = jnp.maximum(
        jnp.dot(xb, xencw_ref[...], preferred_element_type=jnp.float32)
        + xencb_ref[...], 0.0)
    st = (jnp.dot(xe, wx_ref[...], preferred_element_type=jnp.float32)
          + jnp.dot(yp, wy_ref[...], preferred_element_type=jnp.float32)
          + bst_ref[...])
    st_t = st.T
    s_ref[...] = st_t[0]
    t_ref[...] = st_t[1]


def _edge_body(s_hbm, t_hbm, pos_hbm, neg_hbm, outp_hbm, outn_hbm,
               s_v, t_v, si_v, di_v, out_v):
    wid = lax.axis_index("s") * 2 + lax.axis_index("c")
    base = wid * _CH
    pltpu.sync_copy(s_hbm, s_v)
    pltpu.sync_copy(t_hbm, t_v)

    def do_half(edges_flat_hbm, out_hbm1):
        pltpu.sync_copy(edges_flat_hbm.at[pl.ds(base, _CH)], si_v)
        pltpu.sync_copy(edges_flat_hbm.at[pl.ds(_E + base, _CH)], di_v)

        @plsc.parallel_loop(0, _CH // _LANES, 1, unroll=8)
        def _gather_loop(i):
            off = i * _LANES
            si = si_v[pl.ds(off, _LANES)]
            di = di_v[pl.ds(off, _LANES)]
            sv = plsc.load_gather(s_v, [si])
            tv = plsc.load_gather(t_v, [di])
            out_v[pl.ds(off, _LANES)] = sv + tv
        pltpu.sync_copy(out_v, out_hbm1.at[pl.ds(base, _CH)])

    do_half(pos_hbm, outp_hbm)
    do_half(neg_hbm, outn_hbm)


def _rotl(x, r):
    return (x << np.uint32(r)) | (x >> np.uint32(32 - r))


def _tf2x32(k1, k2, x1, x2):
    ks0 = np.uint32(k1); ks1 = np.uint32(k2)
    ks2 = ks0 ^ ks1 ^ np.uint32(0x1BD11BDA)
    x1 = (x1 + ks0).astype(np.uint32); x2 = (x2 + ks1).astype(np.uint32)

    def rounds(a, b, rots):
        for r in rots:
            a = (a + b).astype(np.uint32)
            b = _rotl(b, r) ^ a
        return a, b

    r0 = (13, 15, 26, 6); r1 = (17, 29, 16, 24)
    x1, x2 = rounds(x1, x2, r0); x1 = (x1 + ks1).astype(np.uint32); x2 = (x2 + ks2 + np.uint32(1)).astype(np.uint32)
    x1, x2 = rounds(x1, x2, r1); x1 = (x1 + ks2).astype(np.uint32); x2 = (x2 + ks0 + np.uint32(2)).astype(np.uint32)
    x1, x2 = rounds(x1, x2, r0); x1 = (x1 + ks0).astype(np.uint32); x2 = (x2 + ks1 + np.uint32(3)).astype(np.uint32)
    x1, x2 = rounds(x1, x2, r1); x1 = (x1 + ks1).astype(np.uint32); x2 = (x2 + ks2 + np.uint32(4)).astype(np.uint32)
    x1, x2 = rounds(x1, x2, r0); x1 = (x1 + ks2).astype(np.uint32); x2 = (x2 + ks0 + np.uint32(5)).astype(np.uint32)
    return x1, x2


def _compute_neg_edges() -> np.ndarray:
    n = 2 * _E
    b1, b2 = _tf2x32(0, 42, np.zeros(2, np.uint32),
                     np.arange(2, dtype=np.uint32))
    hi = np.zeros(n, np.uint32); lo = np.arange(n, dtype=np.uint32)
    a1, a2 = _tf2x32(b1[0], b2[0], hi, lo); higher = a1 ^ a2
    c1, c2 = _tf2x32(b1[1], b2[1], hi, lo); lower = c1 ^ c2
    span = np.uint32(_N)
    mult = np.uint32((int(2 ** 16) % _N) ** 2 % _N)
    off = ((higher % span) * mult + lower % span).astype(np.uint32) % span
    return off.astype(np.int32)


_NEG_EDGES_FLAT = _compute_neg_edges()


def kernel(x, edge_index, y, train_mask, fc1_w, fc1_b, fc2_w, fc2_b,
           xenc_w, xenc_b, pe_w, pe_b):
    wx = jnp.concatenate([pe_w[0:_HX], pe_w[_HX:2 * _HX]], axis=1)
    wy = jnp.concatenate([pe_w[2 * _HX:2 * _HX + _C],
                          pe_w[2 * _HX + _C:]], axis=1)
    bst = jnp.stack([pe_b[0], jnp.zeros((), jnp.float32)]).reshape(1, 2)

    ym = (y * 2 + train_mask.astype(jnp.int32)).reshape(1, _N)

    ylp, s_tab, t_tab = pl.pallas_call(
        _node_body,
        out_shape=[
            jax.ShapeDtypeStruct((_C, _N), jnp.float32),
            jax.ShapeDtypeStruct((_N,), jnp.float32),
            jax.ShapeDtypeStruct((_N,), jnp.float32),
        ],
    )(x, ym, fc1_w, fc1_b.reshape(1, _HID), fc2_w, fc2_b.reshape(1, _C),
      xenc_w, xenc_b.reshape(1, _HX), wx, wy, bst)
    ylp = ylp.T

    neg = jnp.asarray(_NEG_EDGES_FLAT)

    mesh = plsc.VectorSubcoreMesh(core_axis_name="c", subcore_axis_name="s",
                                  num_cores=2, num_subcores=16)
    edge_call = pl.kernel(
        _edge_body,
        out_type=[
            jax.ShapeDtypeStruct((_E,), jnp.float32),
            jax.ShapeDtypeStruct((_E,), jnp.float32),
        ],
        mesh=mesh,
        compiler_params=pltpu.CompilerParams(needs_layout_passes=False),
        scratch_types=[
            pltpu.VMEM((_N,), jnp.float32),
            pltpu.VMEM((_N,), jnp.float32),
            pltpu.VMEM((_CH,), jnp.int32),
            pltpu.VMEM((_CH,), jnp.int32),
            pltpu.VMEM((_CH,), jnp.float32),
        ],
    )
    ep, en = edge_call(s_tab, t_tab, edge_index.reshape(2 * _E), neg)

    return (ep.reshape(_E, 1), en.reshape(_E, 1), ylp)

# --- scband reference (transcript-rebuilt; emitter-appended) ---
"""Pipeline reference for scband-gen-gnn-16887811408662 (READ-ONLY COPY).

The authoritative reference and input builder live on the scoring server;
editing this copy changes nothing except your own understanding.
"""

import jax, jax.numpy as jnp
import numpy as np

N = 10000
E = 320000
F_IN = 128
HID = 128
HX = 64
C = 40
TEMP = 1.0


def setup_inputs(seed: int = 0) -> dict:
    key = jax.random.key(seed)
    ks = jax.random.split(key, 12)
    x = jax.random.normal(ks[0], (N, F_IN), dtype=jnp.float32)
    edge_index = jax.random.randint(ks[1], (2, E), 0, N, dtype=jnp.int32)
    y = jax.random.randint(ks[2], (N,), 0, C, dtype=jnp.int32)
    train_mask = jax.random.randint(ks[3], (N,), 0, 2, dtype=jnp.int32).astype(jnp.bool_)
    # learned parameters (LSM generative GNN)
    fc1_w = jax.random.normal(ks[4], (F_IN, HID), dtype=jnp.float32) * (1.0 / np.sqrt(F_IN))
    fc1_b = jnp.zeros((HID,), dtype=jnp.float32)
    fc2_w = jax.random.normal(ks[5], (HID, C), dtype=jnp.float32) * (1.0 / np.sqrt(HID))
    fc2_b = jnp.zeros((C,), dtype=jnp.float32)
    xenc_w = jax.random.normal(ks[6], (F_IN, HX), dtype=jnp.float32) * (1.0 / np.sqrt(F_IN))
    xenc_b = jnp.zeros((HX,), dtype=jnp.float32)
    pe_w = jax.random.normal(ks[7], (2 * (HX + C), 1), dtype=jnp.float32) * (1.0 / np.sqrt(2 * (HX + C)))
    pe_b = jnp.zeros((1,), dtype=jnp.float32)
    return {"x": x, "edge_index": edge_index, "y": y, "train_mask": train_mask,
            "fc1_w": fc1_w, "fc1_b": fc1_b, "fc2_w": fc2_w, "fc2_b": fc2_b,
            "xenc_w": xenc_w, "xenc_b": xenc_b, "pe_w": pe_w, "pe_b": pe_b}


def reference(x, edge_index, y, train_mask, fc1_w, fc1_b, fc2_w, fc2_b, xenc_w, xenc_b, pe_w, pe_b):
    # p_y_x MLP (dropout inactive at eval)
    h = jax.nn.relu(x @ fc1_w + fc1_b)
    logits = (h @ fc2_w + fc2_b) / TEMP
    y_log_prob = jax.nn.log_softmax(logits, axis=-1)
    y_prob = jnp.exp(y_log_prob)
    onehot = jax.nn.one_hot(y, C, dtype=y_prob.dtype)
    y_prob = jnp.where(train_mask[:, None], onehot, y_prob)
    # node encoder
    xe = jax.nn.relu(x @ xenc_w + xenc_b)
    # positive edges: per-edge gathers (memory bound)
    src = edge_index[0]
    dst = edge_index[1]
    xy_pos = jnp.concatenate([jnp.take(xe, src, axis=0), jnp.take(xe, dst, axis=0),
                              jnp.take(y_prob, src, axis=0), jnp.take(y_prob, dst, axis=0)], axis=1)
    e_pred_pos = xy_pos @ pe_w + pe_b
    # negative edges (neg_ratio = 1.0), sampled uniformly
    nk = jax.random.key(42)
    edge_index_neg = jax.random.randint(nk, (2, E), 0, N, dtype=jnp.int32)
    nsrc = edge_index_neg[0]
    ndst = edge_index_neg[1]
    xy_neg = jnp.concatenate([jnp.take(xe, nsrc, axis=0), jnp.take(xe, ndst, axis=0),
                              jnp.take(y_prob, nsrc, axis=0), jnp.take(y_prob, ndst, axis=0)], axis=1)
    e_pred_neg = xy_neg @ pe_w + pe_b
    return (e_pred_pos, e_pred_neg, y_log_prob)

if __name__ == "__main__":
    import jax
    _d = setup_inputs()
    print(jax.jit(kernel)(*tuple(_d.values())))

</pallas_src>

<mosaic_0001>
#map = affine_map<(d0, d1) -> (0)>
module attributes {stable_mosaic.version = 14 : i64} {
  func.func @_edge_body(%arg0: i32, %arg1: i32, %arg2: memref<10000xf32, #tpu.memory_space<hbm>>, %arg3: memref<10000xf32, #tpu.memory_space<hbm>>, %arg4: memref<640000xi32, #tpu.memory_space<hbm>>, %arg5: memref<640000xi32, #tpu.memory_space<hbm>>, %arg6: memref<320000xf32, #tpu.memory_space<hbm>>, %arg7: memref<320000xf32, #tpu.memory_space<hbm>>, %arg8: memref<10000xf32, #tpu.memory_space<vmem>>, %arg9: memref<10000xf32, #tpu.memory_space<vmem>>, %arg10: memref<10000xi32, #tpu.memory_space<vmem>>, %arg11: memref<10000xi32, #tpu.memory_space<vmem>>, %arg12: memref<10000xf32, #tpu.memory_space<vmem>>) attributes {dimension_semantics = [#tpu.dimension_semantics<core_parallel>, #tpu.dimension_semantics<subcore_parallel>], iteration_bounds = array<i64: 2, 16>, scalar_prefetch = 0 : i64, scratch_operands = 5 : i64, tpu.core_type = #tpu.core_type<sc_vector_subcore>, window_params = [{transform_indices = #map}, {transform_indices = #map}, {transform_indices = #map}, {transform_indices = #map}, {transform_indices = #map}, {transform_indices = #map}]} {
    %mul3A = arith.constant 2 : i32
    %mul3A_0 = arith.muli %arg1, %mul3A : i32
    %add3A = arith.addi %mul3A_0, %arg0 : i32
    %mul3A_1 = arith.constant 10000 : i32
    %mul3A_2 = arith.muli %add3A, %mul3A_1 : i32
    "tpu.region"() ({
      %run_scoped3A = tpu.sem_alloc : memref<!tpu.dma_semaphore, #tpu.memory_space<semaphore_mem>>
      tpu.enqueue_dma source(%arg2 : memref<10000xf32, #tpu.memory_space<hbm>>) target(%arg8 : memref<10000xf32, #tpu.memory_space<vmem>>) target_semaphore(%run_scoped3A : memref<!tpu.dma_semaphore, #tpu.memory_space<semaphore_mem>>)
      tpu.wait_dma2 semaphore(%run_scoped3A : memref<!tpu.dma_semaphore, #tpu.memory_space<semaphore_mem>>) src(%arg2 : memref<10000xf32, #tpu.memory_space<hbm>>) dst(%arg8 : memref<10000xf32, #tpu.memory_space<vmem>>)
      tpu.yield
    }) : () -> ()
    "tpu.region"() ({
      %run_scoped3A = tpu.sem_alloc : memref<!tpu.dma_semaphore, #tpu.memory_space<semaphore_mem>>
      tpu.enqueue_dma source(%arg3 : memref<10000xf32, #tpu.memory_space<hbm>>) target(%arg9 : memref<10000xf32, #tpu.memory_space<vmem>>) target_semaphore(%run_scoped3A : memref<!tpu.dma_semaphore, #tpu.memory_space<semaphore_mem>>)
      tpu.wait_dma2 semaphore(%run_scoped3A : memref<!tpu.dma_semaphore, #tpu.memory_space<semaphore_mem>>) src(%arg3 : memref<10000xf32, #tpu.memory_space<hbm>>) dst(%arg9 : memref<10000xf32, #tpu.memory_space<vmem>>)
      tpu.yield
    }) : () -> ()
    "tpu.region"() ({
      %run_scoped3A = tpu.sem_alloc : memref<!tpu.dma_semaphore, #tpu.memory_space<semaphore_mem>>
      %dma_start3A = tpu.memref_slice %arg4[%mul3A_2] : memref<640000xi32, #tpu.memory_space<hbm>> -> memref<10000xi32, #tpu.memory_space<hbm>>
      %dma_start3A_12 = tpu.memref_slice %arg4[%mul3A_2] : memref<640000xi32, #tpu.memory_space<hbm>> -> memref<10000xi32, #tpu.memory_space<hbm>>
      tpu.enqueue_dma source(%dma_start3A_12 : memref<10000xi32, #tpu.memory_space<hbm>>) target(%arg10 : memref<10000xi32, #tpu.memory_space<vmem>>) target_semaphore(%run_scoped3A : memref<!tpu.dma_semaphore, #tpu.memory_space<semaphore_mem>>)
      %dma_wait3A = tpu.memref_slice %arg4[%mul3A_2] : memref<640000xi32, #tpu.memory_space<hbm>> -> memref<10000xi32, #tpu.memory_space<hbm>>
      %dma_wait3A_13 = tpu.memref_slice %arg4[%mul3A_2] : memref<640000xi32, #tpu.memory_space<hbm>> -> memref<10000xi32, #tpu.memory_space<hbm>>
      tpu.wait_dma2 semaphore(%run_scoped3A : memref<!tpu.dma_semaphore, #tpu.memory_space<semaphore_mem>>) src(%dma_wait3A_13 : memref<10000xi32, #tpu.memory_space<hbm>>) dst(%arg10 : memref<10000xi32, #tpu.memory_space<vmem>>)
      tpu.yield
    }) : () -> ()
    %add3A_3 = arith.constant 320000 : i32
    %add3A_4 = arith.addi %add3A_3, %mul3A_2 : i32
    "tpu.region"() ({
      %run_scoped3A = tpu.sem_alloc : memref<!tpu.dma_semaphore, #tpu.memory_space<semaphore_mem>>
      %dma_start3A = tpu.memref_slice %arg4[%add3A_4] : memref<640000xi32, #tpu.memory_space<hbm>> -> memref<10000xi32, #tpu.memory_space<hbm>>
      %dma_start3A_12 = tpu.memref_slice %arg4[%add3A_4] : memref<640000xi32, #tpu.memory_space<hbm>> -> memref<10000xi32, #tpu.memory_space<hbm>>
      tpu.enqueue_dma source(%dma_start3A_12 : memref<10000xi32, #tpu.memory_space<hbm>>) target(%arg11 : memref<10000xi32, #tpu.memory_space<vmem>>) target_semaphore(%run_scoped3A : memref<!tpu.dma_semaphore, #tpu.memory_space<semaphore_mem>>)
      %dma_wait3A = tpu.memref_slice %arg4[%add3A_4] : memref<640000xi32, #tpu.memory_space<hbm>> -> memref<10000xi32, #tpu.memory_space<hbm>>
      %dma_wait3A_13 = tpu.memref_slice %arg4[%add3A_4] : memref<640000xi32, #tpu.memory_space<hbm>> -> memref<10000xi32, #tpu.memory_space<hbm>>
      tpu.wait_dma2 semaphore(%run_scoped3A : memref<!tpu.dma_semaphore, #tpu.memory_space<semaphore_mem>>) src(%dma_wait3A_13 : memref<10000xi32, #tpu.memory_space<hbm>>) dst(%arg11 : memref<10000xi32, #tpu.memory_space<vmem>>)
      tpu.yield
    }) : () -> ()
    %parallel_loop3A = arith.constant 0 : i32
    %parallel_loop3A_5 = arith.constant 625 : i32
    %parallel_loop3A_6 = arith.constant 1 : i32
    scf.for %parallel_loop3A_12 = %parallel_loop3A to %parallel_loop3A_5 step %parallel_loop3A_6  : i32 {
      %parallel_loop3A_13 = arith.constant 16 : i32
      %parallel_loop3A_14 = arith.muli %parallel_loop3A_12, %parallel_loop3A_13 : i32
      %parallel_loop3A_15 = arith.index_cast %parallel_loop3A_14 : i32 to index
      %parallel_loop3A_16 = tpu.vector_load %arg10[%parallel_loop3A_15] {strides = array<i32>} : memref<10000xi32, #tpu.memory_space<vmem>>, vector<16xi32>,
      %parallel_loop3A_17 = arith.index_cast %parallel_loop3A_14 : i32 to index
      %parallel_loop3A_18 = tpu.vector_load %arg11[%parallel_loop3A_17] {strides = array<i32>} : memref<10000xi32, #tpu.memory_space<vmem>>, vector<16xi32>,
      %parallel_loop3A_19 = tpu.vector_load_idx %arg8[%parallel_loop3A_16] : memref<10000xf32, #tpu.memory_space<vmem>>[vector<16xi32>], vector<16xf32>,
      %parallel_loop3A_20 = tpu.vector_load_idx %arg9[%parallel_loop3A_18] : memref<10000xf32, #tpu.memory_space<vmem>>[vector<16xi32>], vector<16xf32>,
      %parallel_loop3A_21 = arith.addf %parallel_loop3A_19, %parallel_loop3A_20 : vector<16xf32>
      %parallel_loop3A_22 = arith.index_cast %parallel_loop3A_14 : i32 to index
      %parallel_loop3A_23 = tpu.vector_load %arg12[%parallel_loop3A_22] {strides = array<i32>} : memref<10000xf32, #tpu.memory_space<vmem>>, vector<16xf32>,
      tpu.vector_store %arg12[%parallel_loop3A_22], %parallel_loop3A_21 {strides = array<i32>} : memref<10000xf32, #tpu.memory_space<vmem>>, vector<16xf32>,
    } {sc.loop_unroll_factor = 8 : i64, sc.parallel_access}
    "tpu.region"() ({
      %run_scoped3A = tpu.sem_alloc : memref<!tpu.dma_semaphore, #tpu.memory_space<semaphore_mem>>
      %dma_start3A = tpu.memref_slice %arg6[%mul3A_2] : memref<320000xf32, #tpu.memory_space<hbm>> -> memref<10000xf32, #tpu.memory_space<hbm>>
      %dma_start3A_12 = tpu.memref_slice %arg6[%mul3A_2] : memref<320000xf32, #tpu.memory_space<hbm>> -> memref<10000xf32, #tpu.memory_space<hbm>>
      tpu.enqueue_dma source(%arg12 : memref<10000xf32, #tpu.memory_space<vmem>>) target(%dma_start3A_12 : memref<10000xf32, #tpu.memory_space<hbm>>) target_semaphore(%run_scoped3A : memref<!tpu.dma_semaphore, #tpu.memory_space<semaphore_mem>>)
      %dma_wait3A = tpu.memref_slice %arg6[%mul3A_2] : memref<320000xf32, #tpu.memory_space<hbm>> -> memref<10000xf32, #tpu.memory_space<hbm>>
      %dma_wait3A_13 = tpu.memref_slice %arg6[%mul3A_2] : memref<320000xf32, #tpu.memory_space<hbm>> -> memref<10000xf32, #tpu.memory_space<hbm>>
      tpu.wait_dma2 semaphore(%run_scoped3A : memref<!tpu.dma_semaphore, #tpu.memory_space<semaphore_mem>>) src(%arg12 : memref<10000xf32, #tpu.memory_space<vmem>>) dst(%dma_wait3A_13 : memref<10000xf32, #tpu.memory_space<hbm>>)
      tpu.yield
    }) : () -> ()
    "tpu.region"() ({
      %run_scoped3A = tpu.sem_alloc : memref<!tpu.dma_semaphore, #tpu.memory_space<semaphore_mem>>
      %dma_start3A = tpu.memref_slice %arg5[%mul3A_2] : memref<640000xi32, #tpu.memory_space<hbm>> -> memref<10000xi32, #tpu.memory_space<hbm>>
      %dma_start3A_12 = tpu.memref_slice %arg5[%mul3A_2] : memref<640000xi32, #tpu.memory_space<hbm>> -> memref<10000xi32, #tpu.memory_space<hbm>>
      tpu.enqueue_dma source(%dma_start3A_12 : memref<10000xi32, #tpu.memory_space<hbm>>) target(%arg10 : memref<10000xi32, #tpu.memory_space<vmem>>) target_semaphore(%run_scoped3A : memref<!tpu.dma_semaphore, #tpu.memory_space<semaphore_mem>>)
      %dma_wait3A = tpu.memref_slice %arg5[%mul3A_2] : memref<640000xi32, #tpu.memory_space<hbm>> -> memref<10000xi32, #tpu.memory_space<hbm>>
      %dma_wait3A_13 = tpu.memref_slice %arg5[%mul3A_2] : memref<640000xi32, #tpu.memory_space<hbm>> -> memref<10000xi32, #tpu.memory_space<hbm>>
      tpu.wait_dma2 semaphore(%run_scoped3A : memref<!tpu.dma_semaphore, #tpu.memory_space<semaphore_mem>>) src(%dma_wait3A_13 : memref<10000xi32, #tpu.memory_space<hbm>>) dst(%arg10 : memref<10000xi32, #tpu.memory_space<vmem>>)
      tpu.yield
    }) : () -> ()
    %add3A_7 = arith.constant 320000 : i32
    %add3A_8 = arith.addi %add3A_7, %mul3A_2 : i32
    "tpu.region"() ({
      %run_scoped3A = tpu.sem_alloc : memref<!tpu.dma_semaphore, #tpu.memory_space<semaphore_mem>>
      %dma_start3A = tpu.memref_slice %arg5[%add3A_8] : memref<640000xi32, #tpu.memory_space<hbm>> -> memref<10000xi32, #tpu.memory_space<hbm>>
      %dma_start3A_12 = tpu.memref_slice %arg5[%add3A_8] : memref<640000xi32, #tpu.memory_space<hbm>> -> memref<10000xi32, #tpu.memory_space<hbm>>
      tpu.enqueue_dma source(%dma_start3A_12 : memref<10000xi32, #tpu.memory_space<hbm>>) target(%arg11 : memref<10000xi32, #tpu.memory_space<vmem>>) target_semaphore(%run_scoped3A : memref<!tpu.dma_semaphore, #tpu.memory_space<semaphore_mem>>)
      %dma_wait3A = tpu.memref_slice %arg5[%add3A_8] : memref<640000xi32, #tpu.memory_space<hbm>> -> memref<10000xi32, #tpu.memory_space<hbm>>
      %dma_wait3A_13 = tpu.memref_slice %arg5[%add3A_8] : memref<640000xi32, #tpu.memory_space<hbm>> -> memref<10000xi32, #tpu.memory_space<hbm>>
      tpu.wait_dma2 semaphore(%run_scoped3A : memref<!tpu.dma_semaphore, #tpu.memory_space<semaphore_mem>>) src(%dma_wait3A_13 : memref<10000xi32, #tpu.memory_space<hbm>>) dst(%arg11 : memref<10000xi32, #tpu.memory_space<vmem>>)
      tpu.yield
    }) : () -> ()
    %parallel_loop3A_9 = arith.constant 0 : i32
    %parallel_loop3A_10 = arith.constant 625 : i32
    %parallel_loop3A_11 = arith.constant 1 : i32
    scf.for %parallel_loop3A_12 = %parallel_loop3A_9 to %parallel_loop3A_10 step %parallel_loop3A_11  : i32 {
      %parallel_loop3A_13 = arith.constant 16 : i32
      %parallel_loop3A_14 = arith.muli %parallel_loop3A_12, %parallel_loop3A_13 : i32
      %parallel_loop3A_15 = arith.index_cast %parallel_loop3A_14 : i32 to index
      %parallel_loop3A_16 = tpu.vector_load %arg10[%parallel_loop3A_15] {strides = array<i32>} : memref<10000xi32, #tpu.memory_space<vmem>>, vector<16xi32>,
      %parallel_loop3A_17 = arith.index_cast %parallel_loop3A_14 : i32 to index
      %parallel_loop3A_18 = tpu.vector_load %arg11[%parallel_loop3A_17] {strides = array<i32>} : memref<10000xi32, #tpu.memory_space<vmem>>, vector<16xi32>,
      %parallel_loop3A_19 = tpu.vector_load_idx %arg8[%parallel_loop3A_16] : memref<10000xf32, #tpu.memory_space<vmem>>[vector<16xi32>], vector<16xf32>,
      %parallel_loop3A_20 = tpu.vector_load_idx %arg9[%parallel_loop3A_18] : memref<10000xf32, #tpu.memory_space<vmem>>[vector<16xi32>], vector<16xf32>,
      %parallel_loop3A_21 = arith.addf %parallel_loop3A_19, %parallel_loop3A_20 : vector<16xf32>
      %parallel_loop3A_22 = arith.index_cast %parallel_loop3A_14 : i32 to index
      %parallel_loop3A_23 = tpu.vector_load %arg12[%parallel_loop3A_22] {strides = array<i32>} : memref<10000xf32, #tpu.memory_space<vmem>>, vector<16xf32>,
      tpu.vector_store %arg12[%parallel_loop3A_22], %parallel_loop3A_21 {strides = array<i32>} : memref<10000xf32, #tpu.memory_space<vmem>>, vector<16xf32>,
    } {sc.loop_unroll_factor = 8 : i64, sc.parallel_access}
    "tpu.region"() ({
      %run_scoped3A = tpu.sem_alloc : memref<!tpu.dma_semaphore, #tpu.memory_space<semaphore_mem>>
      %dma_start3A = tpu.memref_slice %arg7[%mul3A_2] : memref<320000xf32, #tpu.memory_space<hbm>> -> memref<10000xf32, #tpu.memory_space<hbm>>
      %dma_start3A_12 = tpu.memref_slice %arg7[%mul3A_2] : memref<320000xf32, #tpu.memory_space<hbm>> -> memref<10000xf32, #tpu.memory_space<hbm>>
      tpu.enqueue_dma source(%arg12 : memref<10000xf32, #tpu.memory_space<vmem>>) target(%dma_start3A_12 : memref<10000xf32, #tpu.memory_space<hbm>>) target_semaphore(%run_scoped3A : memref<!tpu.dma_semaphore, #tpu.memory_space<semaphore_mem>>)
      %dma_wait3A = tpu.memref_slice %arg7[%mul3A_2] : memref<320000xf32, #tpu.memory_space<hbm>> -> memref<10000xf32, #tpu.memory_space<hbm>>
      %dma_wait3A_13 = tpu.memref_slice %arg7[%mul3A_2] : memref<320000xf32, #tpu.memory_space<hbm>> -> memref<10000xf32, #tpu.memory_space<hbm>>
      tpu.wait_dma2 semaphore(%run_scoped3A : memref<!tpu.dma_semaphore, #tpu.memory_space<semaphore_mem>>) src(%arg12 : memref<10000xf32, #tpu.memory_space<vmem>>) dst(%dma_wait3A_13 : memref<10000xf32, #tpu.memory_space<hbm>>)
      tpu.yield
    }) : () -> ()
    return
  }
}

module attributes {stable_mosaic.version = 14 : i64} {
  func.func @_node_body(%arg0: memref<10000x128xf32, #tpu.memory_space<vmem>>, %arg1: memref<1x10000xi32, #tpu.memory_space<vmem>>, %arg2: memref<128x128xf32, #tpu.memory_space<vmem>>, %arg3: memref<1x128xf32, #tpu.memory_space<vmem>>, %arg4: memref<128x40xf32, #tpu.memory_space<vmem>>, %arg5: memref<1x40xf32, #tpu.memory_space<vmem>>, %arg6: memref<128x64xf32, #tpu.memory_space<vmem>>, %arg7: memref<1x64xf32, #tpu.memory_space<vmem>>, %arg8: memref<64x2xf32, #tpu.memory_space<vmem>>, %arg9: memref<40x2xf32, #tpu.memory_space<vmem>>, %arg10: memref<1x2xf32, #tpu.memory_space<vmem>>, %arg11: memref<40x10000xf32, #tpu.memory_space<vmem>>, %arg12: memref<10000xf32, #tpu.memory_space<vmem>>, %arg13: memref<10000xf32, #tpu.memory_space<vmem>>) attributes {dimension_semantics = [], scalar_prefetch = 0 : i64, scratch_operands = 0 : i64, tpu.core_type = #tpu.core_type<tc>} {
    %get3A = arith.constant 0 : index
    %get3A_0 = arith.constant 0 : index
    %get3A_1 = vector.load %arg0[%get3A, %get3A_0] : memref<10000x128xf32, #tpu.memory_space<vmem>>, vector<10000x128xf32>
    %get3A_2 = arith.constant 0 : index
    %get3A_3 = arith.constant 0 : index
    %get3A_4 = vector.load %arg2[%get3A_2, %get3A_3] : memref<128x128xf32, #tpu.memory_space<vmem>>, vector<128x128xf32>
    %dot_general3A = arith.constant dense<0.000000e+00> : vector<10000x128xf32>
    %dot_general3A_5 = tpu.matmul %get3A_1, %get3A_4, %dot_general3A {dimension_numbers = #tpu.dot_dimension_numbers<[1], [0], [0], [1], [0, 0, 1, 1], [], []>, transpose_lhs_hint = false} : vector<10000x128xf32>, vector<128x128xf32>, vector<10000x128xf32> -> vector<10000x128xf32>
    %get3A_6 = arith.constant 0 : index
    %get3A_7 = arith.constant 0 : index
    %get3A_8 = vector.load %arg3[%get3A_6, %get3A_7] : memref<1x128xf32, #tpu.memory_space<vmem>>, vector<1x128xf32>
    %add3A = vector.broadcast %get3A_8 : vector<1x128xf32> to vector<10000x128xf32>
    %add3A_9 = arith.addf %dot_general3A_5, %add3A : vector<10000x128xf32>
    %max3A = arith.constant 0.000000e+00 : f32
    %max3A_10 = vector.broadcast %max3A : f32 to vector<10000x128xf32>
    %max3A_11 = arith.maximumf %add3A_9, %max3A_10 : vector<10000x128xf32>
    %get3A_12 = arith.constant 0 : index
    %get3A_13 = arith.constant 0 : index
    %get3A_14 = vector.load %arg4[%get3A_12, %get3A_13] : memref<128x40xf32, #tpu.memory_space<vmem>>, vector<128x40xf32>
    %dot_general3A_15 = arith.constant dense<0.000000e+00> : vector<10000x40xf32>
    %dot_general3A_16 = tpu.matmul %max3A_11, %get3A_14, %dot_general3A_15 {dimension_numbers = #tpu.dot_dimension_numbers<[1], [0], [0], [1], [0, 0, 1, 1], [], []>, transpose_lhs_hint = false} : vector<10000x128xf32>, vector<128x40xf32>, vector<10000x40xf32> -> vector<10000x40xf32>
    %get3A_17 = arith.constant 0 : index
    %get3A_18 = arith.constant 0 : index
    %get3A_19 = vector.load %arg5[%get3A_17, %get3A_18] : memref<1x40xf32, #tpu.memory_space<vmem>>, vector<1x40xf32>
    %add3A_20 = vector.broadcast %get3A_19 : vector<1x40xf32> to vector<10000x40xf32>
    %add3A_21 = arith.addf %dot_general3A_16, %add3A_20 : vector<10000x40xf32>
    %reduce_max3A = arith.constant dense<0xFF800000> : vector<10000xf32>
    %reduce_max3A_22 = vector.multi_reduction <maximumf>, %add3A_21, %reduce_max3A [1] : vector<10000x40xf32> to vector<10000xf32>
    %broadcast_in_dim3A = vector.shape_cast %reduce_max3A_22 : vector<10000xf32> to vector<10000x1xf32>
    %sub3A = vector.broadcast %broadcast_in_dim3A : vector<10000x1xf32> to vector<10000x40xf32>
    %sub3A_23 = arith.subf %add3A_21, %sub3A : vector<10000x40xf32>
    %exp3A = math.exp %sub3A_23 : vector<10000x40xf32>
    %reduce_sum3A = arith.constant dense<0.000000e+00> : vector<10000xf32>
    %reduce_sum3A_24 = vector.multi_reduction <add>, %exp3A, %reduce_sum3A [1] : vector<10000x40xf32> to vector<10000xf32>
    %broadcast_in_dim3A_25 = vector.shape_cast %reduce_sum3A_24 : vector<10000xf32> to vector<10000x1xf32>
    %log3A = math.log %broadcast_in_dim3A_25 : vector<10000x1xf32>
    %sub3A_26 = vector.broadcast %log3A : vector<10000x1xf32> to vector<10000x40xf32>
    %sub3A_27 = arith.subf %sub3A_23, %sub3A_26 : vector<10000x40xf32>
    %transpose3A = tpu.transpose %sub3A_27, [1, 0] : vector<10000x40xf32> -> vector<40x10000xf32>
    %swap3A = arith.constant 0 : index
    %swap3A_28 = arith.constant 0 : index
    %swap3A_29 = vector.load %arg11[%swap3A, %swap3A_28] : memref<40x10000xf32, #tpu.memory_space<vmem>>, vector<40x10000xf32>
    tpu.vector_store %arg11[%swap3A, %swap3A_28], %transpose3A {strides = array<i32>} : memref<40x10000xf32, #tpu.memory_space<vmem>>, vector<40x10000xf32>,
    %exp3A_30 = math.exp %sub3A_27 : vector<10000x40xf32>
    %get3A_31 = arith.constant 0 : index
    %get3A_32 = arith.constant 0 : index
    %get3A_33 = vector.load %arg1[%get3A_31, %get3A_32] : memref<1x10000xi32, #tpu.memory_space<vmem>>, vector<1x10000xi32>
    %transpose3A_34 = tpu.transpose %get3A_33, [1, 0] : vector<1x10000xi32> -> vector<10000x1xi32>
    %shift_right_arithmetic3A = arith.constant 1 : i32
    %shift_right_arithmetic3A_35 = vector.broadcast %shift_right_arithmetic3A : i32 to vector<10000x1xi32>
    %shift_right_arithmetic3A_36 = arith.shrsi %transpose3A_34, %shift_right_arithmetic3A_35 : vector<10000x1xi32>
    %and3A = arith.constant 1 : i32
    %and3A_37 = vector.broadcast %and3A : i32 to vector<10000x1xi32>
    %and3A_38 = arith.andi %transpose3A_34, %and3A_37 : vector<10000x1xi32>
    %iota3A = tpu.iota {dimensions = array<i32: 1>} : vector<10000x40xi32>
    %eq3A = vector.broadcast %shift_right_arithmetic3A_36 : vector<10000x1xi32> to vector<10000x40xi32>
    %eq3A_39 = arith.cmpi eq, %iota3A, %eq3A : vector<10000x40xi32>
    %convert_element_type3A = arith.extui %eq3A_39 : vector<10000x40xi1> to vector<10000x40xi32>
    %convert_element_type3A_40 = arith.sitofp %convert_element_type3A : vector<10000x40xi32> to vector<10000x40xf32>
    %ne3A = arith.constant 0 : i32
    %ne3A_41 = vector.broadcast %ne3A : i32 to vector<10000x1xi32>
    %ne3A_42 = arith.cmpi ne, %and3A_38, %ne3A_41 : vector<10000x1xi32>
    %broadcast_in_dim3A_43 = vector.shape_cast %ne3A_42 : vector<10000x1xi1> to vector<10000x1xi1>
    %broadcast_in_dim3A_44 = vector.broadcast %broadcast_in_dim3A_43 : vector<10000x1xi1> to vector<10000x40xi1>
    %select_n3A = arith.select %broadcast_in_dim3A_44, %convert_element_type3A_40, %exp3A_30 : vector<10000x40xi1>, vector<10000x40xf32>
    %get3A_45 = arith.constant 0 : index
    %get3A_46 = arith.constant 0 : index
    %get3A_47 = vector.load %arg6[%get3A_45, %get3A_46] : memref<128x64xf32, #tpu.memory_space<vmem>>, vector<128x64xf32>
    %dot_general3A_48 = arith.constant dense<0.000000e+00> : vector<10000x64xf32>
    %dot_general3A_49 = tpu.matmul %get3A_1, %get3A_47, %dot_general3A_48 {dimension_numbers = #tpu.dot_dimension_numbers<[1], [0], [0], [1], [0, 0, 1, 1], [], []>, transpose_lhs_hint = false} : vector<10000x128xf32>, vector<128x64xf32>, vector<10000x64xf32> -> vector<10000x64xf32>
    %get3A_50 = arith.constant 0 : index
    %get3A_51 = arith.constant 0 : index
    %get3A_52 = vector.load %arg7[%get3A_50, %get3A_51] : memref<1x64xf32, #tpu.memory_space<vmem>>, vector<1x64xf32>
    %add3A_53 = vector.broadcast %get3A_52 : vector<1x64xf32> to vector<10000x64xf32>
    %add3A_54 = arith.addf %dot_general3A_49, %add3A_53 : vector<10000x64xf32>
    %max3A_55 = arith.constant 0.000000e+00 : f32
    %max3A_56 = vector.broadcast %max3A_55 : f32 to vector<10000x64xf32>
    %max3A_57 = arith.maximumf %add3A_54, %max3A_56 : vector<10000x64xf32>
    %get3A_58 = arith.constant 0 : index
    %get3A_59 = arith.constant 0 : index
    %get3A_60 = vector.load %arg8[%get3A_58, %get3A_59] : memref<64x2xf32, #tpu.memory_space<vmem>>, vector<64x2xf32>
    %dot_general3A_61 = arith.constant dense<0.000000e+00> : vector<10000x2xf32>
    %dot_general3A_62 = tpu.matmul %max3A_57, %get3A_60, %dot_general3A_61 {dimension_numbers = #tpu.dot_dimension_numbers<[1], [0], [0], [1], [0, 0, 1, 1], [], []>, transpose_lhs_hint = false} : vector<10000x64xf32>, vector<64x2xf32>, vector<10000x2xf32> -> vector<10000x2xf32>
    %get3A_63 = arith.constant 0 : index
    %get3A_64 = arith.constant 0 : index
    %get3A_65 = vector.load %arg9[%get3A_63, %get3A_64] : memref<40x2xf32, #tpu.memory_space<vmem>>, vector<40x2xf32>
    %dot_general3A_66 = arith.constant dense<0.000000e+00> : vector<10000x2xf32>
    %dot_general3A_67 = tpu.matmul %select_n3A, %get3A_65, %dot_general3A_66 {dimension_numbers = #tpu.dot_dimension_numbers<[1], [0], [0], [1], [0, 0, 1, 1], [], []>, transpose_lhs_hint = false} : vector<10000x40xf32>, vector<40x2xf32>, vector<10000x2xf32> -> vector<10000x2xf32>
    %add3A_68 = arith.addf %dot_general3A_62, %dot_general3A_67 : vector<10000x2xf32>
    %get3A_69 = arith.constant 0 : index
    %get3A_70 = arith.constant 0 : index
    %get3A_71 = vector.load %arg10[%get3A_69, %get3A_70] : memref<1x2xf32, #tpu.memory_space<vmem>>, vector<1x2xf32>
    %add3A_72 = vector.broadcast %get3A_71 : vector<1x2xf32> to vector<10000x2xf32>
    %add3A_73 = arith.addf %add3A_68, %add3A_72 : vector<10000x2xf32>
    %transpose3A_74 = tpu.transpose %add3A_73, [1, 0] : vector<10000x2xf32> -> vector<2x10000xf32>
    %slice3A = vector.extract_strided_slice %transpose3A_74 {offsets = [0, 0], sizes = [1, 10000], strides = [1, 1]} : vector<2x10000xf32> to vector<1x10000xf32>
    %squeeze3A = vector.shape_cast %slice3A : vector<1x10000xf32> to vector<10000xf32>
    %swap3A_75 = arith.constant 0 : index
    %swap3A_76 = vector.load %arg12[%swap3A_75] : memref<10000xf32, #tpu.memory_space<vmem>>, vector<10000xf32>
    tpu.vector_store %arg12[%swap3A_75], %squeeze3A {strides = array<i32>} : memref<10000xf32, #tpu.memory_space<vmem>>, vector<10000xf32>,
    %slice3A_77 = vector.extract_strided_slice %transpose3A_74 {offsets = [1, 0], sizes = [1, 10000], strides = [1, 1]} : vector<2x10000xf32> to vector<1x10000xf32>
    %squeeze3A_78 = vector.shape_cast %slice3A_77 : vector<1x10000xf32> to vector<10000xf32>
    %swap3A_79 = arith.constant 0 : index
    %swap3A_80 = vector.load %arg13[%swap3A_79] : memref<10000xf32, #tpu.memory_space<vmem>>, vector<10000xf32>
    tpu.vector_store %arg13[%swap3A_79], %squeeze3A_78 {strides = array<i32>} : memref<10000xf32, #tpu.memory_space<vmem>>, vector<10000xf32>,
    return
  }
}

</mosaic_0001>

<sc_bundles>
// kernel: kernel.4.cloned.1.call-start
scs
__scs_entry_jumppad:
0x0: {  	(pc) =	sbr.rel $0x88, $3  }
0x1: {  	(tag) =	ssettag $0x0;
	lr =	simm.s32 $0x1  }
0x2: {  	[smem:$0x3F95] =	sst lr;
	_ =	strace $0xD0000000  }
0x3: {  	_ = 	snop  }
0x4: {  	_ = 	snop  }
0x5: {  	_ = 	snop  }
0x6: {  	_ = 	snop  }
0x7: {  	_ = 	snop  }
__scs_overlays_trampoline_lowered:
0x8: {  	[smem:$0x3FA4] =	sst s0  }
0x9: {  	[smem:$0x3FA5] =	sst s1  }
0xa: {  	[smem:$0x3FA6] =	sst s2  }
0xb: {  	[smem:$0x3FA7] =	sst s3  }
0xc: {  	[smem:$0x3FA8] =	sst s4  }
0xd: {  	[smem:$0x3FA9] =	sst s5  }
0xe: {  	[smem:$0x3FAA] =	sst s6  }
0xf: {  	[smem:$0x3FAB] =	sst s7  }
0x10: {  	[smem:$0x3FAC] =	sst s8  }
0x11: {  	[smem:$0x3FAD] =	sst s9;
	s0 =	simm.s32 @!p0 $0x0  }
0x12: {  	s1 =	sld [smem:$0x3F93];
	s0 =	simm.s32 @p0 $0x1  }
0x13: {  	[smem:$0x3FAE] =	sst s0;
	s0 =	simm.s32 @!p1 $0x0  }
0x14: {  	s2 =	sld [smem:$0x3F92];
	s0 =	simm.s32 @p1 $0x1  }
0x15: {  	[smem:$0x3FAF] =	sst s0;
	s0 =	simm.s32 @!p2 $0x0  }
0x16: {  	s3 =	sld [smem:$0x3FDB];
	s0 =	simm.s32 @p2 $0x1  }
0x17: {  	s4 =	simm.s32 $0x1BF5;
	[smem:$0x3FB1] =	sst s0  }
0x18: {  	s0 =	sld [smem:$0x3F94];
	_ =	swait.ge [sflag:s4], $0x0  }
0x19: {  	s7 =	sld [smem:$0x3F95]  }
0x1a: {  	s8 =	sadd.s32 $0xFFFFE003, lr  }
0x1b: {  	s9 =	sadd.s32 $0xFFFFFEF7, lr;
	s5 =	simm.s32 $0xFFFFFFFF;
	p2 =	slt.u32 s8, $0xFFFFF086  }
0x1c: {  	p1 =	slt.u32 s9, $0xF7A;
	s5 =	simm.s32 @!p2 $0x0  }
0x1d: {  	s5 =	simm.s32 @p1 $0x1;
	p0 =	seq.s32 s7, s2  }
0x1e: {  	s7 =	smul.u32 @!p0 $0xF7A, s2;
	p2 =	seq.s32 @!p0 s5, $0x0  }
0x1f: {  	s9 =	smul.u32 $0xF7A, s1;
	s8 =	simm.s32 @!p0 $0x1BF5;
	p2 =	por !p2, p0  }
0x20: {  	[sflag:s8] =	ssyncset.s32 @!p0 $0xFFFFF086;
	s6 =	sadd.s32 @!p0 s3, s7;
	s7 =	simm.s32 @!p0 $0x108  }
0x21: {  	s3 =	sadd.s32 s3, s9;
	s6 =	sadd.s32 @!p0 $0x88, s6;
	s7 =	simm.s32 @p2 $0x1082  }
0x22: {  	[simem:s7], [sflag:s8] =	dma.local @!p0 [hbm:s6], $0xF7A  }
0x23: {  	s9 =	sor.u32 $0xD0000000, s2;
	s6 =	simm.s32 $0x108;
	_ =	swait.ge @!p0 [sflag:s8], $0x0  }
0x24: {  	s3 =	sadd.s32 $0x88, s3;
	s6 =	simm.s32 @!p1 $0x1082;
	[sflag:s4] =	ssyncset.s32 $0xFFFFF086  }
0x25: {  	[simem:s6], [sflag:s4] =	dma.local [hbm:s3], $0xF7A  }
0x26: {  	[smem:$0x3F95] =	sst s1;
	(tag) =	ssettag s2;
	_ =	strace s9  }
0x27: {  	s1 =	sld [smem:$0x3FA5]  }
0x28: {  	s2 =	sld [smem:$0x3FA6]  }
0x29: {  	s4 =	sld [smem:$0x3FA8]  }
0x2a: {  	p0 =	seq.s32 s5, $0x0;
	s5 =	sld [smem:$0x3FA9]  }
0x2b: {  	s6 =	sld [smem:$0x3FAA]  }
0x2c: {  	s7 =	sld [smem:$0x3FAB]  }
0x2d: {  	s3 =	simm.s32 $0x108;
	s8 =	sld [smem:$0x3FAC]  }
0x2e: {  	s3 =	simm.s32 @!p0 $0x1082;
	s9 =	sld [smem:$0x3FAD]  }
0x2f: {  	lr =	sadd.s32 s0, s3;
	s0 =	sld [smem:$0x3FA4]  }
0x30: {  	s3 =	sld [smem:$0x3FA7]  }
0x31: {  	[smem:$0x3FB0] =	sst s10  }
0x32: {  	s10 =	sld [smem:$0x3FAE];
	_ =	sdelay $0x3  }
0x33: {  	p0 =	seq.s32 s10, $0x1;
	s10 =	sld [smem:$0x3FB0];
	_ =	sdelay $0x3  }
0x34: {  	[smem:$0x3FB0] =	sst s10  }
0x35: {  	s10 =	sld [smem:$0x3FAF];
	_ =	sdelay $0x3  }
0x36: {  	p1 =	seq.s32 s10, $0x1;
	s10 =	sld [smem:$0x3FB0];
	_ =	sdelay $0x3  }
0x37: {  	[smem:$0x3FB0] =	sst s10  }
0x38: {  	s10 =	sld [smem:$0x3FB1]  }
0x39: {  	_ = 	snop;
	(pc) =	sbr.ind lr, $3  }
0x3a: {  	_ = 	snop  }
0x3b: {  	_ = 	snop  }
0x3c: {  	p2 =	seq.s32 s10, $0x1;
	s10 =	sld [smem:$0x3FB0]  }
0x3d: {  	_ =	shalt  }
0x3e: {  	_ =	shalt  }
0x3f: {  	_ =	shalt  }
0x40: {  	_ =	shalt  }
0x41: {  	_ =	shalt  }
0x42: {  	_ =	shalt  }
0x43: {  	_ =	shalt  }
0x44: {  	_ =	shalt  }
0x45: {  	_ =	shalt  }
0x46: {  	_ =	shalt  }
0x47: {  	_ =	shalt  }
0x48: {  	_ =	shalt  }
0x49: {  	_ =	shalt  }
0x4a: {  	_ =	shalt  }
0x4b: {  	_ =	shalt  }
0x4c: {  	_ =	shalt  }
0x4d: {  	_ =	shalt  }
0x4e: {  	_ =	shalt  }
0x4f: {  	_ =	shalt  }
0x50: {  	_ =	shalt  }
0x51: {  	_ =	shalt  }
0x52: {  	_ =	shalt  }
0x53: {  	_ =	shalt  }
0x54: {  	_ =	shalt  }
0x55: {  	_ =	shalt  }
0x56: {  	_ =	shalt  }
0x57: {  	_ =	shalt  }
0x58: {  	_ =	shalt  }
0x59: {  	_ =	shalt  }
0x5a: {  	_ =	shalt  }
0x5b: {  	_ =	shalt  }
0x5c: {  	_ =	shalt  }
0x5d: {  	_ =	shalt  }
0x5e: {  	_ =	shalt  }
0x5f: {  	_ =	shalt  }
0x60: {  	_ =	shalt  }
0x61: {  	_ =	shalt  }
0x62: {  	_ =	shalt  }
0x63: {  	_ =	shalt  }
0x64: {  	_ =	shalt  }
0x65: {  	_ =	shalt  }
0x66: {  	_ =	shalt  }
0x67: {  	_ =	shalt  }
0x68: {  	_ =	shalt  }
0x69: {  	_ =	shalt  }
0x6a: {  	_ =	shalt  }
0x6b: {  	_ =	shalt  }
0x6c: {  	_ =	shalt  }
0x6d: {  	_ =	shalt  }
0x6e: {  	_ =	shalt  }
0x6f: {  	_ =	shalt  }
0x70: {  	_ =	shalt  }
0x71: {  	_ =	shalt  }
0x72: {  	_ =	shalt  }
0x73: {  	_ =	shalt  }
0x74: {  	_ =	shalt  }
0x75: {  	_ =	shalt  }
0x76: {  	_ =	shalt  }
0x77: {  	_ =	shalt  }
0x78: {  	_ =	shalt  }
0x79: {  	_ =	shalt  }
0x7a: {  	_ =	shalt  }
0x7b: {  	_ =	shalt  }
0x7c: {  	_ =	shalt  }
0x7d: {  	_ =	shalt  }
0x7e: {  	_ =	shalt  }
0x7f: {  	_ =	shalt  }
0x80: {  	_ =	shalt  }
0x81: {  	_ =	shalt  }
0x82: {  	_ =	shalt  }
0x83: {  	_ =	shalt  }
0x84: {  	_ =	shalt  }
0x85: {  	_ =	shalt  }
0x86: {  	_ =	shalt  }
0x87: {  	_ =	shalt  }
.Lfunc_end0:
.L_simem_size_0:
called_computation_lowered:
.L_overlay_start_0:
0x88: {  	s2 =	sld [smem:$0x3FD9]  }
0x89: {  	s3 =	sld [smem:$0x3FFE];
	_ =	sdelay $0x1  }
0x8a: {  	s1 =	srdreg.scid  }
0x8b: {  	s0 =	sand.u32 $0x1, s1  }
0x8c: {  	s14 =	sshll.u32 s0, $0xA;
	s2 =	sadd.s32 s3, s2  }
0x8d: {  	s2 =	sadd.s32 s2, s14  }
0x8e: {  	[smem:$0x3FBC] =	sst s2  }
0x8f: {  	_ = 	snop  }
0x90: {  	s2 =	sld [smem:$0x3FD0];
	_ =	sdelay $0x2  }
0x91: {  	s15 =	simm.s32 $0xA;
	s4 =	simm.s32 $0x10  }
0x92: {  	[smem:s4], [sflag:s15] =	dma.local [hbm:s2], $0x1  }
0x93: {  	_ =	swait.eq [sflag:s15], $0x1  }
0x94: {  	[sflag:s15] =	ssyncset.done $0x0  }
0x95: {  	s16 =	sld [smem:$0x10];
	[sflag:s15] =	ssyncadd.s32 $0xFFFFFFFF  }
0x96: {  	s17 =	sld [smem:$0x11];
	(tm) =	ssettm $0x1  }
0x97: {  	s18 =	sld [smem:$0x3FFB];
	_ =	sdelay $0x3  }
0x98: {  	_ =	strace s18  }
0x99: {  	s4 =	sld [smem:$0x3FFC];
	_ =	sdelay $0x3  }
0x9a: {  	_ =	strace s4  }
0x9b: {  	s4 =	sld [smem:$0x3FFD];
	_ =	sdelay $0x3  }
0x9c: {  	_ =	strace s4  }
0x9d: {  	_ =	strace $0x8FFFFFFF  }
0x9e: {  	s19 =	sld [smem:$0x3FDB];
	_ =	sdelay $0x1  }
0x9f: {  	s5 =	simm.s32 $_scs_section_size  }
0xa0: {  	s6 =	simm.s32 $_size__tile_overlayer_lowered;
	s7 =	simm.s32 $_tile_overlayer_lowered  }
0xa1: {  	s22 =	simm.s32 $0x1BFF;
	s21 =	sshll.u32 s7, $0x1;
	s4 =	sadd.s32 s5, s19  }
0xa2: {  	s8 =	simm.s32 $0x0;
	s20 =	sshll.u32 s6, $0x1;
	s6 =	sadd.s32 s21, s4  }
0xa3: {  	[timem:s8], [sflag:s22] =	dma.local [hbm:s6], s20  }
0xa4: {  	_ =	swait.ge [sflag:s22], s20  }
0xa5: {  	s5 =	ssub.s32 $0x0, s20;
	[sflag:s22] =	ssyncset.done $0x0  }
0xa6: {  	[sflag:s22] =	ssyncadd.s32 s5;
	_ =	sdelay $0x1  }
0xa7: {  	s23 =	simm.s32 $0x1B8B  }
0xa8: {  	_ =	swait.ge [sflag:s23], $0x1  }
0xa9: {  	[sflag:s23] =	ssyncset.done $0x0  }
0xaa: {  	s25 =	simm.s32 $0x1B8E;
	s24 =	sld [smem:$0x3FFE];
	[sflag:s23] =	ssyncadd.s32 $0xFFFFFFFF  }
0xab: {  	s26 =	simm.s32 $execute0_lowered;
	[smem:$0x3FD2] =	sst s25  }
0xac: {  	s6 =	sshll.u32 s26, $0x1;
	_ =	strace $0x80000046;
	[dreg:$0x1] =	wrdreg $0xFFFFFFFF  }
0xad: {  	s28 =	simm.s32 $_size_execute0_lowered;
	s4 =	sadd.s32 s4, s6;
	[dreg:$0x0] =	wrdreg $0x0  }
0xae: {  	s6 =	sshll.u32 s28, $0x1;
	[dreg:$0x2] =	wrdreg s4  }
0xaf: {  	[dreg:$0x3] =	wrdreg s6  }
0xb0: {  	[dreg:$0x4] =	wrdreg $0xC0  }
0xb1: {  	_ =	task [dreg:s8], $0x5FFFF  }
0xb2: {  	[dreg:$0x1] =	wrdreg $0xFFFFFFFF  }
0xb3: {  	[dreg:$0x0] =	wrdreg $0x60  }
0xb4: {  	[dreg:$0x2] =	wrdreg s17  }
0xb5: {  	[dreg:$0x3] =	wrdreg s16  }
0xb6: {  	[dreg:$0x4] =	wrdreg s24  }
0xb7: {  	[dreg:$0x5] =	wrdreg $0x9  }
0xb8: {  	_ =	task.clear_ibuf [dreg:s8], $0x6FFFF;
	_ =	strace $0x90000046  }
0xb9: {  	s29 =	simm.s32 $0x9;
	_ =	strace $0x80000048  }
0xba: {  	_ =	swait.ge [sflag:s29], $0x1  }
0xbb: {  	[sflag:s29] =	ssyncadd.s32 $0xFFFFFFFF  }
0xbc: {  	_ =	strace $0x90000048  }
0xbd: {  	_ =	sfence  }
0xbe: {  	s30 =	sld [smem:$0x0];
	_ =	sdelay $0x2  }
0xbf: {  	s31 =	sshll.u32 s1, $0xD;
	s1 =	sshrl.u32 s1, $0x2  }
0xc0: {  	s3 =	sand.u32 $0x4000, s31;
	s1 =	sadd.s32 s1, s30  }
0xc1: {  	s0 =	sor.u32 s3, s0;
	s1 =	sshll.u32 s1, $0x11  }
0xc2: {  	s0 =	sor.u32 s1, s0  }
0xc3: {  	s0 =	sadd.s32 $0x8F2B, s0  }
0xc4: {  	[sflag:s0] =	ssyncadd.remote.s32 $0x1  }
0xc5: {  	_ =	sfence.sel $0xFFFF  }
0xc6: {  	[dreg:$0x0] =	wrdreg $0xFFFFFFFF;
	(pc) =	sbr.abs _section_cstart, $3  }
0xc7: {  	[dreg:$0x1] =	wrdreg $0xFFFFFFFF  }
0xc8: {  	_ =	task.clear_ibuf [dreg:s8], $0x2FFFF;
	_ =	strace $0x9FFFFFFF  }
0xc9: {  	(tm) =	ssettm $0x7FFFFFFF  }
tec
execute0_lowered:
.L_overlay_start_1:
0x0: {  	(tag) =	ssettag $0x1  }
0x1: {  	s1 =	rddreg [dreg:$0x0]  }
0x2: {  	s3 =	rddreg [dreg:$0x1]  }
0x3: {  	s2 =	srdreg.scid;
	s0 =	stileid.u32  }
0x4: {  	s5 =	rddreg [dreg:$0x2];
	s4 =	simm.s32 $0x0;
	s14 =	simm.s32 $0x4F00  }
0x5: {  	s15 =	simm.s32 $0x7680;
	s6 =	sand.u32 $0x1, s2;
	s7 =	sshll.u32 s0, $0x1  }
0x6: {  	s16 =	simm.s32 $0x9E00;
	s2 =	rddreg [dreg:$0x3];
	s7 =	sor.u32 s6, s7  }
0x7: {  	s17 =	simm.s32 $0x0;
	[smem:$0x7FF] =	sst s4;
	s7 =	smul.u32 $0x2710, s7  }
0x8: {  	s8 =	sadd.s32 $0x2000, s5;
	s10 =	sadd.s32 $0x15A00, s5;
	s6 =	ssub.s32 $0x2, s6  }
0x9: {  	_ =	strace $0x80000047;
	s31 =	sshrl.u32 s6, $0x1;
	s9 =	sshrl.u32 s7, $0x3  }
0xa: {  	s12 =	ssub.s32 s6, s31;
	s11 =	sadd.s32 s9, s5;
	s13 =	sadd.s32 $0x9C40, s9  }
0xb: {  	s5 =	sadd.s32 s8, s9;
	s6 =	sadd.s32 s8, s13;
	s7 =	sadd.s32 $0x29400, s11  }
0xc: {  	s8 =	sadd.s32 s10, s9;
	s9 =	sadd.s32 s10, s13;
	s10 =	sadd.s32 $0x33200, s11  }
0xd: {  	s11 =	smax.u32 s12, $0x1;
	s12 =	simm.s32 $0x1;
	s13 =	simm.s32 $0x2780  }
.LBB2_1:
0xe: {  	[tilespmem:s4], [sflag:$0x1] =	stream.linear.gather [hbm4b:s1+s4], $0x2780, $0x38;
	[tilespmem:$0xC580] =	vst v63  }
0xf: {  	_ =	swait.ge [sflag:s12], $0x2780  }
0x10: {  	[sflag:s12] =	ssyncset.done $0x0  }
0x11: {  	[sflag:s12] =	ssyncadd.s32 $0xFFFFD880  }
0x12: {  	[tilespmem:s13], [sflag:$0x1] =	stream.linear.gather [hbm4b:s3+s4], $0x2780, $0x38;
	[tilespmem:$0xC580] =	vst v63  }
0x13: {  	_ =	swait.ge [sflag:s12], $0x2780  }
0x14: {  	[sflag:s12] =	ssyncset.done $0x0  }
0x15: {  	[sflag:s12] =	ssyncadd.s32 $0xFFFFD880  }
0x16: {  	[tilespmem:s14], [sflag:$0x1] =	stream.linear.gather [hbm4b:s5+s4], $0x2710, $0x38;
	[tilespmem:$0xC580] =	vst v63  }
0x17: {  	_ =	swait.ge [sflag:s12], $0x2710  }
0x18: {  	[sflag:s12] =	ssyncset.done $0x0  }
0x19: {  	[sflag:s12] =	ssyncadd.s32 $0xFFFFD8F0  }
0x1a: {  	[tilespmem:s15], [sflag:$0x1] =	stream.linear.gather [hbm4b:s6+s4], $0x2710, $0x38;
	[tilespmem:$0xC580] =	vst v63  }
0x1b: {  	_ =	swait.ge [sflag:s12], $0x2710  }
0x1c: {  	[sflag:s12] =	ssyncset.done $0x0  }
0x1d: {  	s19 =	simm.s32 $0x4F40;
	[sflag:s12] =	ssyncadd.s32 $0xFFFFD8F0  }
0x1e: {  	s18 =	simm.s32 $0x76C0;
	v0 =	vld [tilespmem:s19+$0x30]  }
0x1f: {  	v1 =	vld [tilespmem:s18+$0x30]  }
0x20: {  	v2 =	vld [tilespmem:s18+$0xFFFFFFC0]  }
0x21: {  	v3 =	vld [tilespmem:s19+$0xFFFFFFD0]  }
0x22: {  	v4 =	vld [tilespmem:s18+$0xFFFFFFD0]  }
0x23: {  	v5 =	vld [tilespmem:s19+$0xFFFFFFE0]  }
0x24: {  	v6 =	vld [tilespmem:s18+$0xFFFFFFE0]  }
0x25: {  	v7 =	vld [tilespmem:s19+$0xFFFFFFF0]  }
0x26: {  	v9 =	vld [tilespmem:s19+$0x0]  }
0x27: {  	v10 =	vld [tilespmem:s18+$0x0]  }
0x28: {  	v11 =	vld [tilespmem:s19+$0x10]  }
0x29: {  	v12 =	vld [tilespmem:s18+$0x10]  }
0x2a: {  	v13 =	vld [tilespmem:s19+$0x20]  }
0x2b: {  	v14 =	vld [tilespmem:s18+$0x20]  }
0x2c: {  	v15 =	vld [tilespmem:s19+$0xFFFFFFC0]  }
0x2d: {  	v8 =	vld.idx.msk [tilespmem:v0+s4+$0x0], $0xffff  }
0x2e: {  	v1 =	vld.idx.msk [tilespmem:v1+s13+$0x0], $0xffff  }
0x2f: {  	v0 =	vld [tilespmem:s18+$0xFFFFFFF0]  }
0x30: {  	v16 =	vld.idx.msk [tilespmem:v2+s13+$0x0], $0xffff  }
0x31: {  	v3 =	vld.idx.msk [tilespmem:v3+s4+$0x0], $0xffff  }
0x32: {  	v4 =	vld.idx.msk [tilespmem:v4+s13+$0x0], $0xffff  }
0x33: {  	v5 =	vld.idx.msk [tilespmem:v5+s4+$0x0], $0xffff  }
0x34: {  	v6 =	vld.idx.msk [tilespmem:v6+s13+$0x0], $0xffff  }
0x35: {  	v7 =	vld.idx.msk [tilespmem:v7+s4+$0x0], $0xffff  }
0x36: {  	v15 =	vld.idx.msk [tilespmem:v15+s4+$0x0], $0xffff  }
0x37: {  	v17 =	vld.idx.msk [tilespmem:v0+s13+$0x0], $0xffff  }
0x38: {  	v2 =	vld.idx.msk [tilespmem:v10+s13+$0x0], $0xffff  }
0x39: {  	v8 =	vadd.f32 v1, v8;
	v1 =	vld.idx.msk [tilespmem:v11+s4+$0x0], $0xffff  }
0x3a: {  	s19 =	simm.s32 $0x9E40;
	v3 =	vadd.f32 v4, v3;
	v0 =	vld.idx.msk [tilespmem:v9+s4+$0x0], $0xffff  }
0x3b: {  	v5 =	vadd.f32 v6, v5;
	v4 =	vld.idx.msk [tilespmem:v12+s13+$0x0], $0xffff;
	[tilespmem:s19+$0x30] =	vst v8  }
0x3c: {  	[tilespmem:s19+$0xFFFFFFD0] =	vst v3;
	v3 =	vld.idx.msk [tilespmem:v13+s4+$0x0], $0xffff;
	v7 =	vadd.f32 v17, v7  }
0x3d: {  	s20 =	simm.s32 $0x0;
	s21 =	simm.s32 $0x4FC0;
	v6 =	vadd.f32 v16, v15;
	[tilespmem:s19+$0xFFFFFFE0] =	vst v5;
	v5 =	vld.idx.msk [tilespmem:v14+s13+$0x0], $0xffff  }
.LBB2_2:
0x3e: {  	v8 =	vld [tilespmem:s21+$0x30];
	[tilespmem:s19+$0xFFFFFFF0] =	vst v7;
	s18 =	sadd.s32 $0x80, s18  }
0x3f: {  	s20 =	sadd.s32 $0x8, s20;
	v0 =	vadd.f32 v2, v0;
	v7 =	vld [tilespmem:s18+$0x30];
	[tilespmem:s19+$0xFFFFFFC0] =	vst v6  }
0x40: {  	p0 =	slt.u32 s20, $0x268;
	v2 =	vld [tilespmem:s18+$0xFFFFFFC0]  }
0x41: {  	v6 =	vld [tilespmem:s21+$0xFFFFFFD0];
	[tilespmem:s19+$0x0] =	vst v0;
	v0 =	vadd.f32 v4, v1  }
0x42: {  	v1 =	vld [tilespmem:s18+$0xFFFFFFD0]  }
0x43: {  	v4 =	vld [tilespmem:s21+$0xFFFFFFE0];
	[tilespmem:s19+$0x10] =	vst v0;
	v0 =	vadd.f32 v5, v3  }
0x44: {  	v3 =	vld [tilespmem:s18+$0xFFFFFFE0]  }
0x45: {  	v5 =	vld [tilespmem:s21+$0xFFFFFFF0];
	[tilespmem:s19+$0x20] =	vst v0  }
0x46: {  	v0 =	vld.idx.msk [tilespmem:v8+s4+$0x0], $0xffff  }
0x47: {  	v7 =	vld.idx.msk [tilespmem:v7+s13+$0x0], $0xffff  }
0x48: {  	v8 =	vld [tilespmem:s18+$0xFFFFFFF0]  }
0x49: {  	v9 =	vld [tilespmem:s21+$0x0]  }
0x4a: {  	v10 =	vld [tilespmem:s18+$0x0]  }
0x4b: {  	v11 =	vld [tilespmem:s21+$0x10]  }
0x4c: {  	v12 =	vld [tilespmem:s18+$0x10]  }
0x4d: {  	v0 =	vadd.f32 v7, v0;
	v13 =	vld [tilespmem:s21+$0x20]  }
0x4e: {  	s19 =	sadd.s32 $0x80, s19;
	v14 =	vld [tilespmem:s18+$0x20]  }
0x4f: {  	v7 =	vld [tilespmem:s21+$0xFFFFFFC0];
	[tilespmem:s19+$0x30] =	vst v0  }
0x50: {  	v15 =	vld.idx.msk [tilespmem:v2+s13+$0x0], $0xffff  }
0x51: {  	v0 =	vld.idx.msk [tilespmem:v6+s4+$0x0], $0xffff  }
0x52: {  	v1 =	vld.idx.msk [tilespmem:v1+s13+$0x0], $0xffff  }
0x53: {  	v4 =	vld.idx.msk [tilespmem:v4+s4+$0x0], $0xffff  }
0x54: {  	v3 =	vld.idx.msk [tilespmem:v3+s13+$0x0], $0xffff  }
0x55: {  	v5 =	vld.idx.msk [tilespmem:v5+s4+$0x0], $0xffff  }
0x56: {  	v6 =	vld.idx.msk [tilespmem:v8+s13+$0x0], $0xffff  }
0x57: {  	v8 =	vld.idx.msk [tilespmem:v7+s4+$0x0], $0xffff  }
0x58: {  	v1 =	vadd.f32 v1, v0;
	v0 =	vld.idx.msk [tilespmem:v9+s4+$0x0], $0xffff  }
.Ltmp0:
0x59: {  	v2 =	vld.idx.msk [tilespmem:v10+s13+$0x0], $0xffff;
	(pc) =	sbr.rel @p0 .LBB2_2-.Ltmp0, $4  }
0x5a: {  	v3 =	vadd.f32 v3, v4;
	[tilespmem:s19+$0xFFFFFFD0] =	vst v1;
	v1 =	vld.idx.msk [tilespmem:v11+s4+$0x0], $0xffff  }
0x5b: {  	v4 =	vld.idx.msk [tilespmem:v12+s13+$0x0], $0xffff  }
0x5c: {  	v7 =	vadd.f32 v6, v5;
	[tilespmem:s19+$0xFFFFFFE0] =	vst v3;
	v3 =	vld.idx.msk [tilespmem:v13+s4+$0x0], $0xffff  }
0x5d: {  	s21 =	sadd.s32 $0x80, s21;
	v6 =	vadd.f32 v15, v8;
	v5 =	vld.idx.msk [tilespmem:v14+s13+$0x0], $0xffff  }
0x5e: {  	_ =	sdelay $0x1  }
0x5f: {  	[tilespmem:s19+$0xFFFFFFF0] =	vst v7;
	v0 =	vadd.f32 v2, v0  }
0x60: {  	[tilespmem:s19+$0xFFFFFFC0] =	vst v6;
	v1 =	vadd.f32 v4, v1  }
0x61: {  	[tilespmem:s19+$0x0] =	vst v0;
	v0 =	vadd.f32 v5, v3  }
0x62: {  	[tilespmem:s19+$0x10] =	vst v1  }
0x63: {  	[tilespmem:s19+$0x20] =	vst v0  }
0x64: {  	v0 =	vld [tilespmem:$0x7600]  }
0x65: {  	v1 =	vld [tilespmem:$0x9D80];
	_ =	sdelay $0x6  }
0x66: {  	v0 =	vld.idx.msk [tilespmem:v0+s4+$0x0], $0xffff  }
0x67: {  	v1 =	vld.idx.msk [tilespmem:v1+s13+$0x0], $0xffff;
	_ =	sdelay $0x4  }
0x68: {  	v0 =	vadd.f32 v1, v0;
	_ =	sdelay $0x1  }
0x69: {  	[tilespmem:$0xC500] =	vst v0  }
0x6a: {  	[hbm4b:s7+s4] =	stream.linear.scatter [tilespmem:s16], [sflag:$0x1], $0x2710, $0x38;
	[tilespmem:$0xC580] =	vst v63  }
0x6b: {  	_ =	swait.ge [sflag:s12], $0x2710  }
0x6c: {  	[sflag:s12] =	ssyncset.done $0x0  }
0x6d: {  	[sflag:s12] =	ssyncadd.s32 $0xFFFFD8F0  }
0x6e: {  	[tilespmem:s14], [sflag:$0x1] =	stream.linear.gather [hbm4b:s8+s4], $0x2710, $0x38;
	[tilespmem:$0xC580] =	vst v63  }
0x6f: {  	_ =	swait.ge [sflag:s12], $0x2710  }
0x70: {  	[sflag:s12] =	ssyncset.done $0x0  }
0x71: {  	[sflag:s12] =	ssyncadd.s32 $0xFFFFD8F0  }
0x72: {  	[tilespmem:s15], [sflag:$0x1] =	stream.linear.gather [hbm4b:s9+s4], $0x2710, $0x38;
	[tilespmem:$0xC580] =	vst v63  }
0x73: {  	_ =	swait.ge [sflag:s12], $0x2710  }
0x74: {  	[sflag:s12] =	ssyncset.done $0x0  }
0x75: {  	s31 =	simm.s32 $0x4F40;
	[sflag:s12] =	ssyncadd.s32 $0xFFFFD8F0  }
0x76: {  	s18 =	simm.s32 $0x76C0;
	v0 =	vld [tilespmem:s31+$0x30]  }
0x77: {  	v1 =	vld [tilespmem:s18+$0x30]  }
0x78: {  	v2 =	vld [tilespmem:s18+$0xFFFFFFC0]  }
0x79: {  	v3 =	vld [tilespmem:s31+$0xFFFFFFD0]  }
0x7a: {  	v4 =	vld [tilespmem:s18+$0xFFFFFFD0]  }
0x7b: {  	v5 =	vld [tilespmem:s31+$0xFFFFFFE0]  }
0x7c: {  	v6 =	vld [tilespmem:s18+$0xFFFFFFE0]  }
0x7d: {  	v7 =	vld [tilespmem:s31+$0xFFFFFFF0]  }
0x7e: {  	v9 =	vld [tilespmem:s31+$0x0]  }
0x7f: {  	v10 =	vld [tilespmem:s18+$0x0]  }
0x80: {  	v11 =	vld [tilespmem:s31+$0x10]  }
0x81: {  	v12 =	vld [tilespmem:s18+$0x10]  }
0x82: {  	v13 =	vld [tilespmem:s31+$0x20]  }
0x83: {  	v14 =	vld [tilespmem:s18+$0x20]  }
0x84: {  	v15 =	vld [tilespmem:s31+$0xFFFFFFC0]  }
0x85: {  	v8 =	vld.idx.msk [tilespmem:v0+s4+$0x0], $0xffff  }
0x86: {  	v1 =	vld.idx.msk [tilespmem:v1+s13+$0x0], $0xffff  }
0x87: {  	v0 =	vld [tilespmem:s18+$0xFFFFFFF0]  }
0x88: {  	v16 =	vld.idx.msk [tilespmem:v2+s13+$0x0], $0xffff  }
0x89: {  	v3 =	vld.idx.msk [tilespmem:v3+s4+$0x0], $0xffff  }
0x8a: {  	v4 =	vld.idx.msk [tilespmem:v4+s13+$0x0], $0xffff  }
0x8b: {  	v5 =	vld.idx.msk [tilespmem:v5+s4+$0x0], $0xffff  }
0x8c: {  	v6 =	vld.idx.msk [tilespmem:v6+s13+$0x0], $0xffff  }
0x8d: {  	v7 =	vld.idx.msk [tilespmem:v7+s4+$0x0], $0xffff  }
0x8e: {  	v15 =	vld.idx.msk [tilespmem:v15+s4+$0x0], $0xffff  }
0x8f: {  	v17 =	vld.idx.msk [tilespmem:v0+s13+$0x0], $0xffff  }
0x90: {  	v2 =	vld.idx.msk [tilespmem:v10+s13+$0x0], $0xffff  }
0x91: {  	v8 =	vadd.f32 v1, v8;
	v1 =	vld.idx.msk [tilespmem:v11+s4+$0x0], $0xffff  }
0x92: {  	s19 =	simm.s32 $0x9E40;
	v3 =	vadd.f32 v4, v3;
	v0 =	vld.idx.msk [tilespmem:v9+s4+$0x0], $0xffff  }
0x93: {  	v5 =	vadd.f32 v6, v5;
	v4 =	vld.idx.msk [tilespmem:v12+s13+$0x0], $0xffff;
	[tilespmem:s19+$0x30] =	vst v8  }
0x94: {  	[tilespmem:s19+$0xFFFFFFD0] =	vst v3;
	v3 =	vld.idx.msk [tilespmem:v13+s4+$0x0], $0xffff;
	v7 =	vadd.f32 v17, v7  }
0x95: {  	s20 =	simm.s32 $0x0;
	s21 =	simm.s32 $0x4FC0;
	v6 =	vadd.f32 v16, v15;
	[tilespmem:s19+$0xFFFFFFE0] =	vst v5;
	v5 =	vld.idx.msk [tilespmem:v14+s13+$0x0], $0xffff  }
.LBB2_4:
0x96: {  	v8 =	vld [tilespmem:s21+$0x30];
	[tilespmem:s19+$0xFFFFFFF0] =	vst v7;
	s18 =	sadd.s32 $0x80, s18  }
0x97: {  	s20 =	sadd.s32 $0x8, s20;
	v0 =	vadd.f32 v2, v0;
	v7 =	vld [tilespmem:s18+$0x30];
	[tilespmem:s19+$0xFFFFFFC0] =	vst v6  }
0x98: {  	p0 =	slt.u32 s20, $0x268;
	v2 =	vld [tilespmem:s18+$0xFFFFFFC0]  }
0x99: {  	v6 =	vld [tilespmem:s21+$0xFFFFFFD0];
	[tilespmem:s19+$0x0] =	vst v0;
	v0 =	vadd.f32 v4, v1  }
0x9a: {  	v1 =	vld [tilespmem:s18+$0xFFFFFFD0]  }
0x9b: {  	v4 =	vld [tilespmem:s21+$0xFFFFFFE0];
	[tilespmem:s19+$0x10] =	vst v0;
	v0 =	vadd.f32 v5, v3  }
0x9c: {  	v3 =	vld [tilespmem:s18+$0xFFFFFFE0]  }
0x9d: {  	v5 =	vld [tilespmem:s21+$0xFFFFFFF0];
	[tilespmem:s19+$0x20] =	vst v0  }
0x9e: {  	v0 =	vld.idx.msk [tilespmem:v8+s4+$0x0], $0xffff  }
0x9f: {  	v7 =	vld.idx.msk [tilespmem:v7+s13+$0x0], $0xffff  }
0xa0: {  	v8 =	vld [tilespmem:s18+$0xFFFFFFF0]  }
0xa1: {  	v9 =	vld [tilespmem:s21+$0x0]  }
0xa2: {  	v10 =	vld [tilespmem:s18+$0x0]  }
0xa3: {  	v11 =	vld [tilespmem:s21+$0x10]  }
0xa4: {  	v12 =	vld [tilespmem:s18+$0x10]  }
0xa5: {  	v0 =	vadd.f32 v7, v0;
	v13 =	vld [tilespmem:s21+$0x20]  }
0xa6: {  	s19 =	sadd.s32 $0x80, s19;
	v14 =	vld [tilespmem:s18+$0x20]  }
0xa7: {  	v7 =	vld [tilespmem:s21+$0xFFFFFFC0];
	[tilespmem:s19+$0x30] =	vst v0  }
0xa8: {  	v15 =	vld.idx.msk [tilespmem:v2+s13+$0x0], $0xffff  }
0xa9: {  	v0 =	vld.idx.msk [tilespmem:v6+s4+$0x0], $0xffff  }
0xaa: {  	v1 =	vld.idx.msk [tilespmem:v1+s13+$0x0], $0xffff  }
0xab: {  	v4 =	vld.idx.msk [tilespmem:v4+s4+$0x0], $0xffff  }
0xac: {  	v3 =	vld.idx.msk [tilespmem:v3+s13+$0x0], $0xffff  }
0xad: {  	v5 =	vld.idx.msk [tilespmem:v5+s4+$0x0], $0xffff  }
0xae: {  	v6 =	vld.idx.msk [tilespmem:v8+s13+$0x0], $0xffff  }
0xaf: {  	v8 =	vld.idx.msk [tilespmem:v7+s4+$0x0], $0xffff  }
0xb0: {  	v1 =	vadd.f32 v1, v0;
	v0 =	vld.idx.msk [tilespmem:v9+s4+$0x0], $0xffff  }
.Ltmp1:
0xb1: {  	v2 =	vld.idx.msk [tilespmem:v10+s13+$0x0], $0xffff;
	(pc) =	sbr.rel @p0 .LBB2_4-.Ltmp1, $4  }
0xb2: {  	v3 =	vadd.f32 v3, v4;
	[tilespmem:s19+$0xFFFFFFD0] =	vst v1;
	v1 =	vld.idx.msk [tilespmem:v11+s4+$0x0], $0xffff  }
0xb3: {  	v4 =	vld.idx.msk [tilespmem:v12+s13+$0x0], $0xffff  }
0xb4: {  	v7 =	vadd.f32 v6, v5;
	[tilespmem:s19+$0xFFFFFFE0] =	vst v3;
	v3 =	vld.idx.msk [tilespmem:v13+s4+$0x0], $0xffff  }
0xb5: {  	s21 =	sadd.s32 $0x80, s21;
	v6 =	vadd.f32 v15, v8;
	v5 =	vld.idx.msk [tilespmem:v14+s13+$0x0], $0xffff  }
0xb6: {  	_ =	sdelay $0x1  }
0xb7: {  	[tilespmem:s19+$0xFFFFFFF0] =	vst v7;
	v0 =	vadd.f32 v2, v0  }
0xb8: {  	[tilespmem:s19+$0xFFFFFFC0] =	vst v6;
	v1 =	vadd.f32 v4, v1  }
0xb9: {  	[tilespmem:s19+$0x0] =	vst v0;
	v63 =	vadd.f32 v5, v3  }
0xba: {  	[tilespmem:s19+$0x10] =	vst v1  }
0xbb: {  	[tilespmem:s19+$0x20] =	vst v63  }
0xbc: {  	v0 =	vld [tilespmem:$0x7600]  }
0xbd: {  	v1 =	vld [tilespmem:$0x9D80];
	_ =	sdelay $0x6  }
0xbe: {  	v0 =	vld.idx.msk [tilespmem:v0+s4+$0x0], $0xffff  }
0xbf: {  	v1 =	vld.idx.msk [tilespmem:v1+s13+$0x0], $0xffff;
	_ =	sdelay $0x4  }
0xc0: {  	s17 =	sadd.s32 $0x1, s17;
	v0 =	vadd.f32 v1, v0  }
0xc1: {  	p0 =	sne.s32 s17, s11  }
.Ltmp2:
0xc2: {  	[tilespmem:$0xC500] =	vst v0;
	(pc) =	sbr.rel @p0 .LBB2_1-.Ltmp2, $4  }
0xc3: {  	[hbm4b:s10+s4] =	stream.linear.scatter [tilespmem:s16], [sflag:$0x1], $0x2710, $0x38;
	[tilespmem:$0xC580] =	vst v63  }
0xc4: {  	_ =	swait.ge [sflag:s12], $0x2710  }
0xc5: {  	[sflag:s12] =	ssyncset.done $0x0  }
0xc6: {  	[sflag:s12] =	ssyncadd.s32 $0xFFFFD8F0  }
0xc7: {  	_ =	sfence.sel $0x180000  }
0xc8: {  	[bflag:$0x0] =	sbarrier.arrive $0xFFFF  }
0xc9: {  	p0 =	sne.s32 s0, $0x0;
	_ =	strace $0x90000047  }
0xca: {  	s0 =	sadd.s32 @!p0 $0x100000, s2;
	[bflag:$0x2] =	sbarrier.arrive $0xFFFF  }
0xcb: {  	[sflag:s0] =	ssyncadd.tile.s32 @!p0 $0x1;
	_ =	shalt  }
.Lfunc_end2:
_tile_overlayer_lowered:
.L_overlay_start_2:
0xcc: {  	(tag) =	ssettag $0x2  }
0xcd: {  	s0 =	rddreg [dreg:$0x0];
	s2 =	stileid.u32  }
0xce: {  	s1 =	rddreg [dreg:$0x1];
	p0 =	sne.s32 s2, $0x0  }
0xcf: {  	s3 =	rddreg [dreg:$0x2];
	[bflag:$0x3] =	sbarrier.arrive $0xFFFF;
	s2 =	simm.s32 @!p0 $0x1C01  }
0xd0: {  	[timem:s3], [sflag:s2] =	dma.local @!p0 [hbm:s0], s1  }
0xd1: {  	s0 =	simm.s32 @!p0 $0x1  }
0xd2: {  	_ =	swait.ge @!p0 [sflag:s0], s1  }
0xd3: {  	s1 =	ssub.s32 @!p0 $0x0, s1;
	[sflag:s0] =	ssyncset.done @!p0 $0x0  }
0xd4: {  	[sflag:s0] =	ssyncadd.s32 @!p0 s1  }
0xd5: {  	[bflag:$0x3] =	sbarrier.arrive $0xFFFF  }
0xd6: {  	_ =	shalt  }

</sc_bundles>
